<compile_context>
chip_gen: v7x
topology: tpu7x:2x2x1
jax: 0.10.2.dev20260603
libtpu: 0.0.44.dev20260713+nightly
codegen_flags: <defaults>
</compile_context>

<pallas_src>
import functools

import jax
import jax.numpy as jnp
from jax import lax
from jax.experimental import pallas as pl
from jax.experimental.pallas import tpu as pltpu
from jax.experimental.pallas import tpu_sc as plsc

_B = 2048
_CODE_DIM = 32
_K = 512
_TEMP = 100000000.0
_ROWS = _B * _CODE_DIM
_BLK_A = 4096
_R3A = _BLK_A // 128
_BLK = 4096
_R3 = _BLK // 128

_NC = 2
_NS = 16
_L = 16
_TILES = _NC * _NS
_RPT = _ROWS // _TILES
_WROWS = 64
_NWIN = _RPT // _WROWS


def _idx_body(x_ref, cb_ref, idx_ref):
    x = x_ref[:, :][:, :, None]
    cb = cb_ref[0, :][None, None, :]
    d = jnp.exp(-jnp.abs(x - cb))
    dmax = jnp.max(d, axis=2, keepdims=True)
    iota = lax.broadcasted_iota(jnp.int32, (_R3A, 128, _K), 2)
    idx_ref[:, :] = jnp.min(jnp.where(d == dmax, iota, _K), axis=2)


def _soft_body(x_ref, cb_ref, soft_ref, q_ref):
    x = x_ref[:, :][:, :, None]
    cb = cb_ref[0, :][None, None, :]
    d = jnp.exp(-jnp.abs(x - cb))
    dmax = jnp.max(d, axis=2, keepdims=True)
    m = _TEMP * dmax
    t = _TEMP * d
    e = jnp.exp(t - m)
    s = jnp.sum(e, axis=2, keepdims=True)
    soft = e / s
    soft_ref[:, :] = soft.reshape(_BLK, _K)
    q_ref[:, :] = jnp.sum(soft * cb, axis=2)


_sc_mesh = plsc.VectorSubcoreMesh(
    core_axis_name="c", subcore_axis_name="s",
    num_cores=_NC, num_subcores=_NS)


@functools.partial(
    pl.kernel,
    mesh=_sc_mesh,
    out_type=jax.ShapeDtypeStruct((_ROWS, _K), jnp.float32),
    scratch_types=[
        pltpu.VMEM((_RPT,), jnp.int32),
        pltpu.VMEM((_WROWS, _K), jnp.float32),
    ],
    compiler_params=pltpu.CompilerParams(
        use_tc_tiling_on_sc=True, needs_layout_passes=False),
    cost_estimate=pl.CostEstimate(
        flops=2 * _ROWS, transcendentals=0,
        bytes_accessed=_ROWS * _K * 4 + _ROWS * 4),
)
def _hard_sc(idx_hbm, out_hbm, idx_v, buf):
    wid = lax.axis_index("s") * _NC + lax.axis_index("c")
    base = wid * _RPT
    pltpu.sync_copy(idx_hbm.at[pl.ds(base, _RPT)], idx_v)
    zeros = jnp.zeros((_L,), jnp.float32)
    ones = jnp.full((_L,), 1.0, jnp.float32)
    iot = lax.iota(jnp.int32, _L)

    @pl.loop(0, _WROWS)
    def _zrow(r):
        @pl.loop(0, _K // _L)
        def _zcol(c):
            buf[r, pl.ds(c * _L, _L)] = zeros

    @pl.loop(0, _NWIN)
    def _win(j):
        for g in range(_WROWS // _L):
            iv = idx_v[pl.ds(j * _WROWS + g * _L, _L)]
            plsc.store_scatter(buf, [g * _L + iot, iv], ones)
        pltpu.sync_copy(buf, out_hbm.at[pl.ds(base + j * _WROWS, _WROWS), :])
        for g in range(_WROWS // _L):
            iv = idx_v[pl.ds(j * _WROWS + g * _L, _L)]
            plsc.store_scatter(buf, [g * _L + iot, iv], zeros)


@functools.partial(jax.jit)
def kernel(inputs, codebook):
    x = inputs.reshape(_ROWS // 128, 128)
    grid = (_ROWS // _BLK,)
    idx = pl.pallas_call(
        _idx_body,
        grid=(_ROWS // _BLK_A,),
        in_specs=[
            pl.BlockSpec((_R3A, 128), lambda i: (i, 0)),
            pl.BlockSpec((1, _K), lambda i: (0, 0)),
        ],
        out_specs=pl.BlockSpec((_R3A, 128), lambda i: (i, 0)),
        out_shape=jax.ShapeDtypeStruct((_ROWS // 128, 128), jnp.int32),
    )(x, codebook)
    hard = _hard_sc(idx.reshape(_ROWS))
    soft, q = pl.pallas_call(
        _soft_body,
        grid=grid,
        in_specs=[
            pl.BlockSpec((_R3, 128), lambda i: (i, 0)),
            pl.BlockSpec((1, _K), lambda i: (0, 0)),
        ],
        out_specs=[
            pl.BlockSpec((_BLK, _K), lambda i: (i, 0)),
            pl.BlockSpec((_R3, 128), lambda i: (i, 0)),
        ],
        out_shape=[
            jax.ShapeDtypeStruct((_ROWS, _K), jnp.float32),
            jax.ShapeDtypeStruct((_ROWS // 128, 128), jnp.float32),
        ],
    )(x, codebook)
    soft = soft.reshape(_B, _CODE_DIM, _K)
    hard = hard.reshape(_B, _CODE_DIM, _K)
    q = q.reshape(_B, _CODE_DIM)
    return (soft, hard, q)

# --- scband reference (transcript-rebuilt; emitter-appended) ---
"""Pipeline reference for scband-quantizer-29910152249563 (READ-ONLY COPY).

The authoritative reference and input builder live on the scoring server;
editing this copy changes nothing except your own understanding.
"""

import jax, jax.numpy as jnp
import numpy as np

B = 2048
CODE_DIM = 32
CODEBOOK_DIM = 512
TEMP = 100000000.0


def setup_inputs(seed: int = 0) -> dict:
    key = jax.random.key(seed)
    k1, k2 = jax.random.split(key)
    inputs = jax.random.normal(k1, (B, CODE_DIM), dtype=jnp.float32)
    # nn.Parameter(torch.FloatTensor(1, codebook_dim).uniform_(-1/codebook_dim, 1/codebook_dim))
    codebook = jax.random.uniform(
        k2, (1, CODEBOOK_DIM), dtype=jnp.float32,
        minval=-1.0 / CODEBOOK_DIM, maxval=1.0 / CODEBOOK_DIM)
    return {"inputs": inputs, "codebook": codebook}


def reference(inputs, codebook):
    b, code_dim = inputs.shape
    codebook_dim = codebook.shape[1]
    # inputs.unsqueeze(2).repeat(1, 1, codebook_dim)
    inputs_repeat = jnp.repeat(inputs[:, :, None], codebook_dim, axis=2)
    # exp(-sqrt((x - c)^2)) = exp(-|x - c|), broadcast codebook (1,1,K)
    distances = jnp.exp(-jnp.sqrt(jnp.square(inputs_repeat - codebook[:, None, :])))
    # argmax over codebook dim
    indices = jnp.argmax(distances, axis=2)  # (b, code_dim)
    # indices_to_onehot: zeros.scatter_(2, indices, 1) -> scatter-overwrite
    indices_hard = jnp.zeros((b, code_dim, codebook_dim), dtype=jnp.float32)
    bi = jnp.arange(b)[:, None]
    ci = jnp.arange(code_dim)[None, :]
    indices_hard = indices_hard.at[bi, ci, indices].set(1.0)
    # soft assignment with huge temperature
    indices_soft = jax.nn.softmax(TEMP * distances, axis=-1)
    # indices2codebook: matmul(indices_soft, codebook.t()).squeeze()
    quantized = jnp.matmul(indices_soft, codebook.T).squeeze()  # (b, code_dim)
    return (indices_soft, indices_hard, quantized)

if __name__ == "__main__":
    import jax
    _d = setup_inputs()
    print(jax.jit(kernel)(*tuple(_d.values())))

</pallas_src>

<mosaic_0001>
#map = affine_map<(d0, d1) -> (0)>
#map1 = affine_map<(d0, d1) -> (0, 0)>
module attributes {stable_mosaic.version = 14 : i64} {
  func.func @_hard_sc(%arg0: i32, %arg1: i32, %arg2: memref<65536xi32, #tpu.memory_space<hbm>>, %arg3: memref<65536x512xf32, #tpu.memory_space<hbm>>, %arg4: memref<2048xi32, #tpu.memory_space<vmem>>, %arg5: memref<64x512xf32, #tpu.memory_space<vmem>>) attributes {dimension_semantics = [#tpu.dimension_semantics<core_parallel>, #tpu.dimension_semantics<subcore_parallel>], iteration_bounds = array<i64: 2, 16>, scalar_prefetch = 0 : i64, scratch_operands = 2 : i64, tpu.core_type = #tpu.core_type<sc_vector_subcore>, window_params = [{transform_indices = #map}, {transform_indices = #map1}]} {
    %mul3A = arith.constant 2 : i32
    %mul3A_0 = arith.muli %arg1, %mul3A : i32
    %add3A = arith.addi %mul3A_0, %arg0 : i32
    %mul3A_1 = arith.constant 2048 : i32
    %mul3A_2 = arith.muli %add3A, %mul3A_1 : i32
    "tpu.region"() ({
      %run_scoped3A = tpu.sem_alloc : memref<!tpu.dma_semaphore, #tpu.memory_space<semaphore_mem>>
      %dma_start3A = tpu.memref_slice %arg2[%mul3A_2] : memref<65536xi32, #tpu.memory_space<hbm>> -> memref<2048xi32, #tpu.memory_space<hbm>>
      %dma_start3A_15 = tpu.memref_slice %arg2[%mul3A_2] : memref<65536xi32, #tpu.memory_space<hbm>> -> memref<2048xi32, #tpu.memory_space<hbm>>
      tpu.enqueue_dma source(%dma_start3A_15 : memref<2048xi32, #tpu.memory_space<hbm>>) target(%arg4 : memref<2048xi32, #tpu.memory_space<vmem>>) target_semaphore(%run_scoped3A : memref<!tpu.dma_semaphore, #tpu.memory_space<semaphore_mem>>)
      %dma_wait3A = tpu.memref_slice %arg2[%mul3A_2] : memref<65536xi32, #tpu.memory_space<hbm>> -> memref<2048xi32, #tpu.memory_space<hbm>>
      %dma_wait3A_16 = tpu.memref_slice %arg2[%mul3A_2] : memref<65536xi32, #tpu.memory_space<hbm>> -> memref<2048xi32, #tpu.memory_space<hbm>>
      tpu.wait_dma2 semaphore(%run_scoped3A : memref<!tpu.dma_semaphore, #tpu.memory_space<semaphore_mem>>) src(%dma_wait3A_16 : memref<2048xi32, #tpu.memory_space<hbm>>) dst(%arg4 : memref<2048xi32, #tpu.memory_space<vmem>>)
      tpu.yield
    }) : () -> ()
    %broadcast_in_dim3A = arith.constant 0.000000e+00 : f32
    %broadcast_in_dim3A_3 = vector.broadcast %broadcast_in_dim3A : f32 to vector<16xf32>
    %broadcast_in_dim3A_4 = arith.constant 1.000000e+00 : f32
    %broadcast_in_dim3A_5 = vector.broadcast %broadcast_in_dim3A_4 : f32 to vector<16xf32>
    %iota3A = tpu.iota {dimensions = array<i32: 0>} : vector<16xi32>
    %scan3A = arith.constant 0 : i32
    %scan3A_6 = arith.constant 64 : i32
    %scan3A_7 = arith.addi %scan3A, %scan3A_6 : i32
    %scan3A_8 = arith.constant 1 : i32
    scf.for %scan3A_15 = %scan3A to %scan3A_7 step %scan3A_8  : i32 {
      %mul3A_16 = arith.constant 1 : i32
      %mul3A_17 = arith.muli %scan3A_15, %mul3A_16 : i32
      %add3A_18 = arith.constant 0 : i32
      %add3A_19 = arith.addi %add3A_18, %mul3A_17 : i32
      %scan3A_20 = arith.constant 0 : i32
      %scan3A_21 = arith.constant 32 : i32
      %scan3A_22 = arith.addi %scan3A_20, %scan3A_21 : i32
      %scan3A_23 = arith.constant 1 : i32
      scf.for %scan3A_25 = %scan3A_20 to %scan3A_22 step %scan3A_23  : i32 {
        %mul3A_26 = arith.constant 1 : i32
        %mul3A_27 = arith.muli %scan3A_25, %mul3A_26 : i32
        %add3A_28 = arith.constant 0 : i32
        %add3A_29 = arith.addi %add3A_28, %mul3A_27 : i32
        %mul3A_30 = arith.constant 16 : i32
        %mul3A_31 = arith.muli %add3A_29, %mul3A_30 : i32
        %swap3A = arith.index_cast %add3A_19 : i32 to index
        %swap3A_32 = arith.index_cast %mul3A_31 : i32 to index
        %swap3A_33 = tpu.vector_load %arg5[%swap3A, %swap3A_32] {strides = array<i32>} : memref<64x512xf32, #tpu.memory_space<vmem>>, vector<16xf32>,
        tpu.vector_store %arg5[%swap3A, %swap3A_32], %broadcast_in_dim3A_3 {strides = array<i32>} : memref<64x512xf32, #tpu.memory_space<vmem>>, vector<16xf32>,
      }
      %scan3A_24 = arith.constant 32 : i32
    }
    %scan3A_9 = arith.constant 64 : i32
    %scan3A_10 = arith.constant 0 : i32
    %scan3A_11 = arith.constant 32 : i32
    %scan3A_12 = arith.addi %scan3A_10, %scan3A_11 : i32
    %scan3A_13 = arith.constant 1 : i32
    scf.for %scan3A_15 = %scan3A_10 to %scan3A_12 step %scan3A_13  : i32 {
      %mul3A_16 = arith.constant 1 : i32
      %mul3A_17 = arith.muli %scan3A_15, %mul3A_16 : i32
      %add3A_18 = arith.constant 0 : i32
      %add3A_19 = arith.addi %add3A_18, %mul3A_17 : i32
      %mul3A_20 = arith.constant 64 : i32
      %mul3A_21 = arith.muli %add3A_19, %mul3A_20 : i32
      %add3A_22 = arith.constant 0 : i32
      %add3A_23 = arith.addi %mul3A_21, %add3A_22 : i32
      %get3A = arith.index_cast %add3A_23 : i32 to index
      %get3A_24 = tpu.vector_load %arg4[%get3A] {strides = array<i32>} : memref<2048xi32, #tpu.memory_space<vmem>>, vector<16xi32>,
      %add3A_25 = arith.constant 0 : i32
      %add3A_26 = vector.broadcast %add3A_25 : i32 to vector<16xi32>
      %add3A_27 = arith.addi %add3A_26, %iota3A : vector<16xi32>
      tpu.vector_store_idx %arg5[%add3A_27, %get3A_24], %broadcast_in_dim3A_5 : memref<64x512xf32, #tpu.memory_space<vmem>>[vector<16xi32>, vector<16xi32>], vector<16xf32>,
      %mul3A_28 = arith.constant 64 : i32
      %mul3A_29 = arith.muli %add3A_19, %mul3A_28 : i32
      %add3A_30 = arith.constant 16 : i32
      %add3A_31 = arith.addi %mul3A_29, %add3A_30 : i32
      %get3A_32 = arith.index_cast %add3A_31 : i32 to index
      %get3A_33 = tpu.vector_load %arg4[%get3A_32] {strides = array<i32>} : memref<2048xi32, #tpu.memory_space<vmem>>, vector<16xi32>,
      %add3A_34 = arith.constant 16 : i32
      %add3A_35 = vector.broadcast %add3A_34 : i32 to vector<16xi32>
      %add3A_36 = arith.addi %add3A_35, %iota3A : vector<16xi32>
      tpu.vector_store_idx %arg5[%add3A_36, %get3A_33], %broadcast_in_dim3A_5 : memref<64x512xf32, #tpu.memory_space<vmem>>[vector<16xi32>, vector<16xi32>], vector<16xf32>,
      %mul3A_37 = arith.constant 64 : i32
      %mul3A_38 = arith.muli %add3A_19, %mul3A_37 : i32
      %add3A_39 = arith.constant 32 : i32
      %add3A_40 = arith.addi %mul3A_38, %add3A_39 : i32
      %get3A_41 = arith.index_cast %add3A_40 : i32 to index
      %get3A_42 = tpu.vector_load %arg4[%get3A_41] {strides = array<i32>} : memref<2048xi32, #tpu.memory_space<vmem>>, vector<16xi32>,
      %add3A_43 = arith.constant 32 : i32
      %add3A_44 = vector.broadcast %add3A_43 : i32 to vector<16xi32>
      %add3A_45 = arith.addi %add3A_44, %iota3A : vector<16xi32>
      tpu.vector_store_idx %arg5[%add3A_45, %get3A_42], %broadcast_in_dim3A_5 : memref<64x512xf32, #tpu.memory_space<vmem>>[vector<16xi32>, vector<16xi32>], vector<16xf32>,
      %mul3A_46 = arith.constant 64 : i32
      %mul3A_47 = arith.muli %add3A_19, %mul3A_46 : i32
      %add3A_48 = arith.constant 48 : i32
      %add3A_49 = arith.addi %mul3A_47, %add3A_48 : i32
      %get3A_50 = arith.index_cast %add3A_49 : i32 to index
      %get3A_51 = tpu.vector_load %arg4[%get3A_50] {strides = array<i32>} : memref<2048xi32, #tpu.memory_space<vmem>>, vector<16xi32>,
      %add3A_52 = arith.constant 48 : i32
      %add3A_53 = vector.broadcast %add3A_52 : i32 to vector<16xi32>
      %add3A_54 = arith.addi %add3A_53, %iota3A : vector<16xi32>
      tpu.vector_store_idx %arg5[%add3A_54, %get3A_51], %broadcast_in_dim3A_5 : memref<64x512xf32, #tpu.memory_space<vmem>>[vector<16xi32>, vector<16xi32>], vector<16xf32>,
      %mul3A_55 = arith.constant 64 : i32
      %mul3A_56 = arith.muli %add3A_19, %mul3A_55 : i32
      %add3A_57 = arith.addi %mul3A_2, %mul3A_56 : i32
      "tpu.region"() ({
        %run_scoped3A = tpu.sem_alloc : memref<!tpu.dma_semaphore, #tpu.memory_space<semaphore_mem>>
        %dma_start3A = arith.constant 0 : i32
        %dma_start3A_94 = tpu.memref_slice %arg3[%add3A_57, %dma_start3A] : memref<65536x512xf32, #tpu.memory_space<hbm>> -> memref<64x512xf32, #tpu.memory_space<hbm>>
        %dma_start3A_95 = arith.constant 0 : i32
        %dma_start3A_96 = tpu.memref_slice %arg3[%add3A_57, %dma_start3A_95] : memref<65536x512xf32, #tpu.memory_space<hbm>> -> memref<64x512xf32, #tpu.memory_space<hbm>>
        tpu.enqueue_dma source(%arg5 : memref<64x512xf32, #tpu.memory_space<vmem>>) target(%dma_start3A_96 : memref<64x512xf32, #tpu.memory_space<hbm>>) target_semaphore(%run_scoped3A : memref<!tpu.dma_semaphore, #tpu.memory_space<semaphore_mem>>)
        %dma_wait3A = arith.constant 0 : i32
        %dma_wait3A_97 = tpu.memref_slice %arg3[%add3A_57, %dma_wait3A] : memref<65536x512xf32, #tpu.memory_space<hbm>> -> memref<64x512xf32, #tpu.memory_space<hbm>>
        %dma_wait3A_98 = arith.constant 0 : i32
        %dma_wait3A_99 = tpu.memref_slice %arg3[%add3A_57, %dma_wait3A_98] : memref<65536x512xf32, #tpu.memory_space<hbm>> -> memref<64x512xf32, #tpu.memory_space<hbm>>
        tpu.wait_dma2 semaphore(%run_scoped3A : memref<!tpu.dma_semaphore, #tpu.memory_space<semaphore_mem>>) src(%arg5 : memref<64x512xf32, #tpu.memory_space<vmem>>) dst(%dma_wait3A_99 : memref<64x512xf32, #tpu.memory_space<hbm>>)
        tpu.yield
      }) : () -> ()
      %mul3A_58 = arith.constant 64 : i32
      %mul3A_59 = arith.muli %add3A_19, %mul3A_58 : i32
      %add3A_60 = arith.constant 0 : i32
      %add3A_61 = arith.addi %mul3A_59, %add3A_60 : i32
      %get3A_62 = arith.index_cast %add3A_61 : i32 to index
      %get3A_63 = tpu.vector_load %arg4[%get3A_62] {strides = array<i32>} : memref<2048xi32, #tpu.memory_space<vmem>>, vector<16xi32>,
      %add3A_64 = arith.constant 0 : i32
      %add3A_65 = vector.broadcast %add3A_64 : i32 to vector<16xi32>
      %add3A_66 = arith.addi %add3A_65, %iota3A : vector<16xi32>
      tpu.vector_store_idx %arg5[%add3A_66, %get3A_63], %broadcast_in_dim3A_3 : memref<64x512xf32, #tpu.memory_space<vmem>>[vector<16xi32>, vector<16xi32>], vector<16xf32>,
      %mul3A_67 = arith.constant 64 : i32
      %mul3A_68 = arith.muli %add3A_19, %mul3A_67 : i32
      %add3A_69 = arith.constant 16 : i32
      %add3A_70 = arith.addi %mul3A_68, %add3A_69 : i32
      %get3A_71 = arith.index_cast %add3A_70 : i32 to index
      %get3A_72 = tpu.vector_load %arg4[%get3A_71] {strides = array<i32>} : memref<2048xi32, #tpu.memory_space<vmem>>, vector<16xi32>,
      %add3A_73 = arith.constant 16 : i32
      %add3A_74 = vector.broadcast %add3A_73 : i32 to vector<16xi32>
      %add3A_75 = arith.addi %add3A_74, %iota3A : vector<16xi32>
      tpu.vector_store_idx %arg5[%add3A_75, %get3A_72], %broadcast_in_dim3A_3 : memref<64x512xf32, #tpu.memory_space<vmem>>[vector<16xi32>, vector<16xi32>], vector<16xf32>,
      %mul3A_76 = arith.constant 64 : i32
      %mul3A_77 = arith.muli %add3A_19, %mul3A_76 : i32
      %add3A_78 = arith.constant 32 : i32
      %add3A_79 = arith.addi %mul3A_77, %add3A_78 : i32
      %get3A_80 = arith.index_cast %add3A_79 : i32 to index
      %get3A_81 = tpu.vector_load %arg4[%get3A_80] {strides = array<i32>} : memref<2048xi32, #tpu.memory_space<vmem>>, vector<16xi32>,
      %add3A_82 = arith.constant 32 : i32
      %add3A_83 = vector.broadcast %add3A_82 : i32 to vector<16xi32>
      %add3A_84 = arith.addi %add3A_83, %iota3A : vector<16xi32>
      tpu.vector_store_idx %arg5[%add3A_84, %get3A_81], %broadcast_in_dim3A_3 : memref<64x512xf32, #tpu.memory_space<vmem>>[vector<16xi32>, vector<16xi32>], vector<16xf32>,
      %mul3A_85 = arith.constant 64 : i32
      %mul3A_86 = arith.muli %add3A_19, %mul3A_85 : i32
      %add3A_87 = arith.constant 48 : i32
      %add3A_88 = arith.addi %mul3A_86, %add3A_87 : i32
      %get3A_89 = arith.index_cast %add3A_88 : i32 to index
      %get3A_90 = tpu.vector_load %arg4[%get3A_89] {strides = array<i32>} : memref<2048xi32, #tpu.memory_space<vmem>>, vector<16xi32>,
      %add3A_91 = arith.constant 48 : i32
      %add3A_92 = vector.broadcast %add3A_91 : i32 to vector<16xi32>
      %add3A_93 = arith.addi %add3A_92, %iota3A : vector<16xi32>
      tpu.vector_store_idx %arg5[%add3A_93, %get3A_90], %broadcast_in_dim3A_3 : memref<64x512xf32, #tpu.memory_space<vmem>>[vector<16xi32>, vector<16xi32>], vector<16xf32>,
    }
    %scan3A_14 = arith.constant 32 : i32
    return
  }
}

module attributes {stable_mosaic.version = 14 : i64} {
  func.func @_soft_body(%arg0: i32, %arg1: memref<32x128xf32, #tpu.memory_space<vmem>>, %arg2: memref<1x512xf32, #tpu.memory_space<vmem>>, %arg3: memref<4096x512xf32, #tpu.memory_space<vmem>>, %arg4: memref<32x128xf32, #tpu.memory_space<vmem>>) attributes {dimension_semantics = [#tpu.dimension_semantics<arbitrary>], iteration_bounds = array<i64: 16>, scalar_prefetch = 0 : i64, scratch_operands = 0 : i64, tpu.core_type = #tpu.core_type<tc>, window_params = [{transform_indices = @transform_0, window_bounds = array<i64: 32, 128>}, {pipeline_mode = #tpu.pipeline_mode<synchronous>, transform_indices = @transform_1, window_bounds = array<i64: 1, 512>}, {transform_indices = @transform_2, window_bounds = array<i64: 4096, 512>}, {transform_indices = @transform_3, window_bounds = array<i64: 32, 128>}]} {
    %get3A = arith.constant 0 : index
    %get3A_0 = arith.constant 0 : index
    %get3A_1 = vector.load %arg1[%get3A, %get3A_0] : memref<32x128xf32, #tpu.memory_space<vmem>>, vector<32x128xf32>
    %broadcast_in_dim3A = vector.shape_cast %get3A_1 : vector<32x128xf32> to vector<32x128x1xf32>
    %get3A_2 = arith.constant 0 : index
    %get3A_3 = arith.constant 0 : index
    %get3A_4 = vector.load %arg2[%get3A_2, %get3A_3] : memref<1x512xf32, #tpu.memory_space<vmem>>, vector<1x512xf32>
    %get3A_5 = vector.shape_cast %get3A_4 : vector<1x512xf32> to vector<512xf32>
    %broadcast_in_dim3A_6 = vector.shape_cast %get3A_5 : vector<512xf32> to vector<1x1x512xf32>
    %sub3A = vector.broadcast %broadcast_in_dim3A : vector<32x128x1xf32> to vector<32x128x512xf32>
    %sub3A_7 = vector.broadcast %broadcast_in_dim3A_6 : vector<1x1x512xf32> to vector<32x128x512xf32>
    %sub3A_8 = arith.subf %sub3A, %sub3A_7 : vector<32x128x512xf32>
    %abs3A = math.absf %sub3A_8 : vector<32x128x512xf32>
    %neg3A = arith.constant 0.000000e+00 : f32
    %neg3A_9 = vector.broadcast %neg3A : f32 to vector<32x128x512xf32>
    %neg3A_10 = arith.subf %neg3A_9, %abs3A : vector<32x128x512xf32>
    %exp3A = math.exp %neg3A_10 : vector<32x128x512xf32>
    %reduce_max3A = arith.constant dense<0xFF800000> : vector<32x128xf32>
    %reduce_max3A_11 = vector.multi_reduction <maximumf>, %exp3A, %reduce_max3A [2] : vector<32x128x512xf32> to vector<32x128xf32>
    %broadcast_in_dim3A_12 = vector.shape_cast %reduce_max3A_11 : vector<32x128xf32> to vector<32x128x1xf32>
    %mul3A = arith.constant 1.000000e+08 : f32
    %mul3A_13 = vector.broadcast %mul3A : f32 to vector<32x128x1xf32>
    %mul3A_14 = arith.mulf %mul3A_13, %broadcast_in_dim3A_12 : vector<32x128x1xf32>
    %mul3A_15 = arith.constant 1.000000e+08 : f32
    %mul3A_16 = vector.broadcast %mul3A_15 : f32 to vector<32x128x512xf32>
    %mul3A_17 = arith.mulf %mul3A_16, %exp3A : vector<32x128x512xf32>
    %sub3A_18 = vector.broadcast %mul3A_14 : vector<32x128x1xf32> to vector<32x128x512xf32>
    %sub3A_19 = arith.subf %mul3A_17, %sub3A_18 : vector<32x128x512xf32>
    %exp3A_20 = math.exp %sub3A_19 : vector<32x128x512xf32>
    %reduce_sum3A = arith.constant dense<0.000000e+00> : vector<32x128xf32>
    %reduce_sum3A_21 = vector.multi_reduction <add>, %exp3A_20, %reduce_sum3A [2] : vector<32x128x512xf32> to vector<32x128xf32>
    %broadcast_in_dim3A_22 = vector.shape_cast %reduce_sum3A_21 : vector<32x128xf32> to vector<32x128x1xf32>
    %div3A = vector.broadcast %broadcast_in_dim3A_22 : vector<32x128x1xf32> to vector<32x128x512xf32>
    %div3A_23 = arith.divf %exp3A_20, %div3A : vector<32x128x512xf32>
    %reshape3A = vector.shape_cast %div3A_23 : vector<32x128x512xf32> to vector<4096x512xf32>
    %swap3A = arith.constant 0 : index
    %swap3A_24 = arith.constant 0 : index
    %swap3A_25 = vector.load %arg3[%swap3A, %swap3A_24] : memref<4096x512xf32, #tpu.memory_space<vmem>>, vector<4096x512xf32>
    tpu.vector_store %arg3[%swap3A, %swap3A_24], %reshape3A {strides = array<i32>} : memref<4096x512xf32, #tpu.memory_space<vmem>>, vector<4096x512xf32>,
    %mul3A_26 = vector.broadcast %broadcast_in_dim3A_6 : vector<1x1x512xf32> to vector<32x128x512xf32>
    %mul3A_27 = arith.mulf %div3A_23, %mul3A_26 : vector<32x128x512xf32>
    %reduce_sum3A_28 = arith.constant dense<0.000000e+00> : vector<32x128xf32>
    %reduce_sum3A_29 = vector.multi_reduction <add>, %mul3A_27, %reduce_sum3A_28 [2] : vector<32x128x512xf32> to vector<32x128xf32>
    %swap3A_30 = arith.constant 0 : index
    %swap3A_31 = arith.constant 0 : index
    %swap3A_32 = vector.load %arg4[%swap3A_30, %swap3A_31] : memref<32x128xf32, #tpu.memory_space<vmem>>, vector<32x128xf32>
    tpu.vector_store %arg4[%swap3A_30, %swap3A_31], %reduce_sum3A_29 {strides = array<i32>} : memref<32x128xf32, #tpu.memory_space<vmem>>, vector<32x128xf32>,
    return
  }
  func.func @transform_0(%arg0: i32) -> (i32, i32) {
    %c0_i32 = arith.constant 0 : i32
    %c0_i32_0 = arith.constant 0 : i32
    return %arg0, %c0_i32 : i32, i32
  }
  func.func @transform_1(%arg0: i32) -> (i32, i32) {
    %c0_i32 = arith.constant 0 : i32
    %c0_i32_0 = arith.constant 0 : i32
    %c0_i32_1 = arith.constant 0 : i32
    return %c0_i32, %c0_i32_0 : i32, i32
  }
  func.func @transform_2(%arg0: i32) -> (i32, i32) {
    %c0_i32 = arith.constant 0 : i32
    %c0_i32_0 = arith.constant 0 : i32
    return %arg0, %c0_i32 : i32, i32
  }
  func.func @transform_3(%arg0: i32) -> (i32, i32) {
    %c0_i32 = arith.constant 0 : i32
    %c0_i32_0 = arith.constant 0 : i32
    return %arg0, %c0_i32 : i32, i32
  }
}

module attributes {stable_mosaic.version = 14 : i64} {
  func.func @_idx_body(%arg0: i32, %arg1: memref<32x128xf32, #tpu.memory_space<vmem>>, %arg2: memref<1x512xf32, #tpu.memory_space<vmem>>, %arg3: memref<32x128xi32, #tpu.memory_space<vmem>>) attributes {dimension_semantics = [#tpu.dimension_semantics<arbitrary>], iteration_bounds = array<i64: 16>, scalar_prefetch = 0 : i64, scratch_operands = 0 : i64, tpu.core_type = #tpu.core_type<tc>, window_params = [{transform_indices = @transform_0, window_bounds = array<i64: 32, 128>}, {pipeline_mode = #tpu.pipeline_mode<synchronous>, transform_indices = @transform_1, window_bounds = array<i64: 1, 512>}, {transform_indices = @transform_2, window_bounds = array<i64: 32, 128>}]} {
    %get3A = arith.constant 0 : index
    %get3A_0 = arith.constant 0 : index
    %get3A_1 = vector.load %arg1[%get3A, %get3A_0] : memref<32x128xf32, #tpu.memory_space<vmem>>, vector<32x128xf32>
    %broadcast_in_dim3A = vector.shape_cast %get3A_1 : vector<32x128xf32> to vector<32x128x1xf32>
    %get3A_2 = arith.constant 0 : index
    %get3A_3 = arith.constant 0 : index
    %get3A_4 = vector.load %arg2[%get3A_2, %get3A_3] : memref<1x512xf32, #tpu.memory_space<vmem>>, vector<1x512xf32>
    %get3A_5 = vector.shape_cast %get3A_4 : vector<1x512xf32> to vector<512xf32>
    %broadcast_in_dim3A_6 = vector.shape_cast %get3A_5 : vector<512xf32> to vector<1x1x512xf32>
    %sub3A = vector.broadcast %broadcast_in_dim3A : vector<32x128x1xf32> to vector<32x128x512xf32>
    %sub3A_7 = vector.broadcast %broadcast_in_dim3A_6 : vector<1x1x512xf32> to vector<32x128x512xf32>
    %sub3A_8 = arith.subf %sub3A, %sub3A_7 : vector<32x128x512xf32>
    %abs3A = math.absf %sub3A_8 : vector<32x128x512xf32>
    %neg3A = arith.constant 0.000000e+00 : f32
    %neg3A_9 = vector.broadcast %neg3A : f32 to vector<32x128x512xf32>
    %neg3A_10 = arith.subf %neg3A_9, %abs3A : vector<32x128x512xf32>
    %exp3A = math.exp %neg3A_10 : vector<32x128x512xf32>
    %reduce_max3A = arith.constant dense<0xFF800000> : vector<32x128xf32>
    %reduce_max3A_11 = vector.multi_reduction <maximumf>, %exp3A, %reduce_max3A [2] : vector<32x128x512xf32> to vector<32x128xf32>
    %broadcast_in_dim3A_12 = vector.shape_cast %reduce_max3A_11 : vector<32x128xf32> to vector<32x128x1xf32>
    %iota3A = tpu.iota {dimensions = array<i32: 2>} : vector<32x128x512xi32>
    %eq3A = vector.broadcast %broadcast_in_dim3A_12 : vector<32x128x1xf32> to vector<32x128x512xf32>
    %eq3A_13 = arith.cmpf oeq, %exp3A, %eq3A : vector<32x128x512xf32>
    %jit3A = arith.constant 512 : i32
    %broadcast_in_dim3A_14 = vector.broadcast %jit3A : i32 to vector<32x128x512xi32>
    %select_n3A = arith.select %eq3A_13, %iota3A, %broadcast_in_dim3A_14 : vector<32x128x512xi1>, vector<32x128x512xi32>
    %reduce_min3A = arith.constant dense<2147483647> : vector<32x128xi32>
    %reduce_min3A_15 = vector.multi_reduction <minsi>, %select_n3A, %reduce_min3A [2] : vector<32x128x512xi32> to vector<32x128xi32>
    %swap3A = arith.constant 0 : index
    %swap3A_16 = arith.constant 0 : index
    %swap3A_17 = vector.load %arg3[%swap3A, %swap3A_16] : memref<32x128xi32, #tpu.memory_space<vmem>>, vector<32x128xi32>
    tpu.vector_store %arg3[%swap3A, %swap3A_16], %reduce_min3A_15 {strides = array<i32>} : memref<32x128xi32, #tpu.memory_space<vmem>>, vector<32x128xi32>,
    return
  }
  func.func @transform_0(%arg0: i32) -> (i32, i32) {
    %c0_i32 = arith.constant 0 : i32
    %c0_i32_0 = arith.constant 0 : i32
    return %arg0, %c0_i32 : i32, i32
  }
  func.func @transform_1(%arg0: i32) -> (i32, i32) {
    %c0_i32 = arith.constant 0 : i32
    %c0_i32_0 = arith.constant 0 : i32
    %c0_i32_1 = arith.constant 0 : i32
    return %c0_i32, %c0_i32_0 : i32, i32
  }
  func.func @transform_2(%arg0: i32) -> (i32, i32) {
    %c0_i32 = arith.constant 0 : i32
    %c0_i32_0 = arith.constant 0 : i32
    return %arg0, %c0_i32 : i32, i32
  }
}

</mosaic_0001>

<sc_bundles>
// kernel: kernel.5.cloned.1.call-start
scs
__scs_entry_jumppad:
0x0: {  	(pc) =	sbr.rel $0x88, $3  }
0x1: {  	(tag) =	ssettag $0x0;
	lr =	simm.s32 $0x1  }
0x2: {  	[smem:$0x3F9F] =	sst lr;
	_ =	strace $0xD0000000  }
0x3: {  	_ = 	snop  }
0x4: {  	_ = 	snop  }
0x5: {  	_ = 	snop  }
0x6: {  	_ = 	snop  }
0x7: {  	_ = 	snop  }
__scs_overlays_trampoline_lowered:
0x8: {  	[smem:$0x3FAE] =	sst s0  }
0x9: {  	[smem:$0x3FAF] =	sst s1  }
0xa: {  	[smem:$0x3FB0] =	sst s2  }
0xb: {  	[smem:$0x3FB1] =	sst s3  }
0xc: {  	[smem:$0x3FB2] =	sst s4  }
0xd: {  	[smem:$0x3FB3] =	sst s5  }
0xe: {  	[smem:$0x3FB4] =	sst s6  }
0xf: {  	[smem:$0x3FB5] =	sst s7  }
0x10: {  	[smem:$0x3FB6] =	sst s8  }
0x11: {  	[smem:$0x3FB7] =	sst s9;
	s0 =	simm.s32 @!p0 $0x0  }
0x12: {  	s1 =	sld [smem:$0x3F9D];
	s0 =	simm.s32 @p0 $0x1  }
0x13: {  	[smem:$0x3FB8] =	sst s0;
	s0 =	simm.s32 @!p1 $0x0  }
0x14: {  	s2 =	sld [smem:$0x3F9C];
	s0 =	simm.s32 @p1 $0x1  }
0x15: {  	[smem:$0x3FB9] =	sst s0;
	s0 =	simm.s32 @!p2 $0x0  }
0x16: {  	s3 =	sld [smem:$0x3FDB];
	s0 =	simm.s32 @p2 $0x1  }
0x17: {  	s4 =	simm.s32 $0x1BF5;
	[smem:$0x3FBB] =	sst s0  }
0x18: {  	s0 =	sld [smem:$0x3F9E];
	_ =	swait.ge [sflag:s4], $0x0  }
0x19: {  	s7 =	sld [smem:$0x3F9F]  }
0x1a: {  	s8 =	sadd.s32 $0xFFFFE003, lr  }
0x1b: {  	s9 =	sadd.s32 $0xFFFFFEF7, lr;
	s5 =	simm.s32 $0xFFFFFFFF;
	p2 =	slt.u32 s8, $0xFFFFF086  }
0x1c: {  	p1 =	slt.u32 s9, $0xF7A;
	s5 =	simm.s32 @!p2 $0x0  }
0x1d: {  	s5 =	simm.s32 @p1 $0x1;
	p0 =	seq.s32 s7, s2  }
0x1e: {  	s7 =	smul.u32 @!p0 $0xF7A, s2;
	p2 =	seq.s32 @!p0 s5, $0x0  }
0x1f: {  	s9 =	smul.u32 $0xF7A, s1;
	s8 =	simm.s32 @!p0 $0x1BF5;
	p2 =	por !p2, p0  }
0x20: {  	[sflag:s8] =	ssyncset.s32 @!p0 $0xFFFFF086;
	s6 =	sadd.s32 @!p0 s3, s7;
	s7 =	simm.s32 @!p0 $0x108  }
0x21: {  	s3 =	sadd.s32 s3, s9;
	s6 =	sadd.s32 @!p0 $0x88, s6;
	s7 =	simm.s32 @p2 $0x1082  }
0x22: {  	[simem:s7], [sflag:s8] =	dma.local @!p0 [hbm:s6], $0xF7A  }
0x23: {  	s9 =	sor.u32 $0xD0000000, s2;
	s6 =	simm.s32 $0x108;
	_ =	swait.ge @!p0 [sflag:s8], $0x0  }
0x24: {  	s3 =	sadd.s32 $0x88, s3;
	s6 =	simm.s32 @!p1 $0x1082;
	[sflag:s4] =	ssyncset.s32 $0xFFFFF086  }
0x25: {  	[simem:s6], [sflag:s4] =	dma.local [hbm:s3], $0xF7A  }
0x26: {  	[smem:$0x3F9F] =	sst s1;
	(tag) =	ssettag s2;
	_ =	strace s9  }
0x27: {  	s1 =	sld [smem:$0x3FAF]  }
0x28: {  	s2 =	sld [smem:$0x3FB0]  }
0x29: {  	s4 =	sld [smem:$0x3FB2]  }
0x2a: {  	p0 =	seq.s32 s5, $0x0;
	s5 =	sld [smem:$0x3FB3]  }
0x2b: {  	s6 =	sld [smem:$0x3FB4]  }
0x2c: {  	s7 =	sld [smem:$0x3FB5]  }
0x2d: {  	s3 =	simm.s32 $0x108;
	s8 =	sld [smem:$0x3FB6]  }
0x2e: {  	s3 =	simm.s32 @!p0 $0x1082;
	s9 =	sld [smem:$0x3FB7]  }
0x2f: {  	lr =	sadd.s32 s0, s3;
	s0 =	sld [smem:$0x3FAE]  }
0x30: {  	s3 =	sld [smem:$0x3FB1]  }
0x31: {  	[smem:$0x3FBA] =	sst s10  }
0x32: {  	s10 =	sld [smem:$0x3FB8];
	_ =	sdelay $0x3  }
0x33: {  	p0 =	seq.s32 s10, $0x1;
	s10 =	sld [smem:$0x3FBA];
	_ =	sdelay $0x3  }
0x34: {  	[smem:$0x3FBA] =	sst s10  }
0x35: {  	s10 =	sld [smem:$0x3FB9];
	_ =	sdelay $0x3  }
0x36: {  	p1 =	seq.s32 s10, $0x1;
	s10 =	sld [smem:$0x3FBA];
	_ =	sdelay $0x3  }
0x37: {  	[smem:$0x3FBA] =	sst s10  }
0x38: {  	s10 =	sld [smem:$0x3FBB]  }
0x39: {  	_ = 	snop;
	(pc) =	sbr.ind lr, $3  }
0x3a: {  	_ = 	snop  }
0x3b: {  	_ = 	snop  }
0x3c: {  	p2 =	seq.s32 s10, $0x1;
	s10 =	sld [smem:$0x3FBA]  }
0x3d: {  	_ =	shalt  }
0x3e: {  	_ =	shalt  }
0x3f: {  	_ =	shalt  }
0x40: {  	_ =	shalt  }
0x41: {  	_ =	shalt  }
0x42: {  	_ =	shalt  }
0x43: {  	_ =	shalt  }
0x44: {  	_ =	shalt  }
0x45: {  	_ =	shalt  }
0x46: {  	_ =	shalt  }
0x47: {  	_ =	shalt  }
0x48: {  	_ =	shalt  }
0x49: {  	_ =	shalt  }
0x4a: {  	_ =	shalt  }
0x4b: {  	_ =	shalt  }
0x4c: {  	_ =	shalt  }
0x4d: {  	_ =	shalt  }
0x4e: {  	_ =	shalt  }
0x4f: {  	_ =	shalt  }
0x50: {  	_ =	shalt  }
0x51: {  	_ =	shalt  }
0x52: {  	_ =	shalt  }
0x53: {  	_ =	shalt  }
0x54: {  	_ =	shalt  }
0x55: {  	_ =	shalt  }
0x56: {  	_ =	shalt  }
0x57: {  	_ =	shalt  }
0x58: {  	_ =	shalt  }
0x59: {  	_ =	shalt  }
0x5a: {  	_ =	shalt  }
0x5b: {  	_ =	shalt  }
0x5c: {  	_ =	shalt  }
0x5d: {  	_ =	shalt  }
0x5e: {  	_ =	shalt  }
0x5f: {  	_ =	shalt  }
0x60: {  	_ =	shalt  }
0x61: {  	_ =	shalt  }
0x62: {  	_ =	shalt  }
0x63: {  	_ =	shalt  }
0x64: {  	_ =	shalt  }
0x65: {  	_ =	shalt  }
0x66: {  	_ =	shalt  }
0x67: {  	_ =	shalt  }
0x68: {  	_ =	shalt  }
0x69: {  	_ =	shalt  }
0x6a: {  	_ =	shalt  }
0x6b: {  	_ =	shalt  }
0x6c: {  	_ =	shalt  }
0x6d: {  	_ =	shalt  }
0x6e: {  	_ =	shalt  }
0x6f: {  	_ =	shalt  }
0x70: {  	_ =	shalt  }
0x71: {  	_ =	shalt  }
0x72: {  	_ =	shalt  }
0x73: {  	_ =	shalt  }
0x74: {  	_ =	shalt  }
0x75: {  	_ =	shalt  }
0x76: {  	_ =	shalt  }
0x77: {  	_ =	shalt  }
0x78: {  	_ =	shalt  }
0x79: {  	_ =	shalt  }
0x7a: {  	_ =	shalt  }
0x7b: {  	_ =	shalt  }
0x7c: {  	_ =	shalt  }
0x7d: {  	_ =	shalt  }
0x7e: {  	_ =	shalt  }
0x7f: {  	_ =	shalt  }
0x80: {  	_ =	shalt  }
0x81: {  	_ =	shalt  }
0x82: {  	_ =	shalt  }
0x83: {  	_ =	shalt  }
0x84: {  	_ =	shalt  }
0x85: {  	_ =	shalt  }
0x86: {  	_ =	shalt  }
0x87: {  	_ =	shalt  }
.Lfunc_end0:
.L_simem_size_0:
called_computation_lowered:
.L_overlay_start_0:
0x88: {  	s2 =	sld [smem:$0x3FD9]  }
0x89: {  	s3 =	sld [smem:$0x3FFE];
	_ =	sdelay $0x1  }
0x8a: {  	s1 =	srdreg.scid  }
0x8b: {  	s0 =	sand.u32 $0x1, s1  }
0x8c: {  	s14 =	sshll.u32 s0, $0xA;
	s2 =	sadd.s32 s3, s2  }
0x8d: {  	s2 =	sadd.s32 s2, s14  }
0x8e: {  	[smem:$0x3FC6] =	sst s2  }
0x8f: {  	_ = 	snop  }
0x90: {  	s2 =	sld [smem:$0x3FD0];
	_ =	sdelay $0x2  }
0x91: {  	s15 =	simm.s32 $0xA;
	s4 =	simm.s32 $0x10  }
0x92: {  	[smem:s4], [sflag:s15] =	dma.local [hbm:s2], $0x1  }
0x93: {  	_ =	swait.eq [sflag:s15], $0x1  }
0x94: {  	[sflag:s15] =	ssyncset.done $0x0  }
0x95: {  	[sflag:s15] =	ssyncadd.s32 $0xFFFFFFFF  }
0x96: {  	s16 =	sld [smem:$0x11];
	(tm) =	ssettm $0x1  }
0x97: {  	s17 =	sld [smem:$0x3FFB];
	_ =	sdelay $0x3  }
0x98: {  	_ =	strace s17  }
0x99: {  	s3 =	sld [smem:$0x3FFC];
	_ =	sdelay $0x3  }
0x9a: {  	_ =	strace s3  }
0x9b: {  	s3 =	sld [smem:$0x3FFD];
	_ =	sdelay $0x3  }
0x9c: {  	_ =	strace s3  }
0x9d: {  	_ =	strace $0x8FFFFFFF  }
0x9e: {  	s18 =	sld [smem:$0x3FDB];
	_ =	sdelay $0x1  }
0x9f: {  	s19 =	simm.s32 $_scs_section_size  }
0xa0: {  	s5 =	simm.s32 $_size__tile_overlayer_lowered;
	s6 =	simm.s32 $_tile_overlayer_lowered  }
0xa1: {  	s22 =	simm.s32 $0x1BFF;
	s21 =	sshll.u32 s6, $0x1;
	s3 =	sadd.s32 s19, s18  }
0xa2: {  	s7 =	simm.s32 $0x0;
	s20 =	sshll.u32 s5, $0x1;
	s5 =	sadd.s32 s21, s3  }
0xa3: {  	[timem:s7], [sflag:s22] =	dma.local [hbm:s5], s20  }
0xa4: {  	_ =	swait.ge [sflag:s22], s20  }
0xa5: {  	s4 =	ssub.s32 $0x0, s20;
	[sflag:s22] =	ssyncset.done $0x0  }
0xa6: {  	[sflag:s22] =	ssyncadd.s32 s4;
	_ =	sdelay $0x1  }
0xa7: {  	s23 =	simm.s32 $0x1B8B  }
0xa8: {  	_ =	swait.ge [sflag:s23], $0x1  }
0xa9: {  	[sflag:s23] =	ssyncset.done $0x0  }
0xaa: {  	s25 =	simm.s32 $0x1B8E;
	s24 =	sld [smem:$0x3FFE];
	[sflag:s23] =	ssyncadd.s32 $0xFFFFFFFF  }
0xab: {  	s26 =	simm.s32 $execute0_lowered;
	[smem:$0x3FD2] =	sst s25  }
0xac: {  	s5 =	sshll.u32 s26, $0x1;
	_ =	strace $0x80000046;
	[dreg:$0x1] =	wrdreg $0xFFFFFFFF  }
0xad: {  	s28 =	simm.s32 $_size_execute0_lowered;
	s3 =	sadd.s32 s3, s5;
	[dreg:$0x0] =	wrdreg $0x0  }
0xae: {  	s5 =	sshll.u32 s28, $0x1;
	[dreg:$0x2] =	wrdreg s3  }
0xaf: {  	[dreg:$0x3] =	wrdreg s5  }
0xb0: {  	[dreg:$0x4] =	wrdreg $0xC0  }
0xb1: {  	_ =	task [dreg:s7], $0x5FFFF  }
0xb2: {  	[dreg:$0x1] =	wrdreg $0xFFFFFFFF  }
0xb3: {  	[dreg:$0x0] =	wrdreg $0x60  }
0xb4: {  	[dreg:$0x2] =	wrdreg s24  }
0xb5: {  	[dreg:$0x3] =	wrdreg s16  }
0xb6: {  	[dreg:$0x4] =	wrdreg $0x9  }
0xb7: {  	_ =	task.clear_ibuf [dreg:s7], $0x5FFFF;
	_ =	strace $0x90000046  }
0xb8: {  	s29 =	simm.s32 $0x9;
	_ =	strace $0x80000048  }
0xb9: {  	_ =	swait.ge [sflag:s29], $0x1  }
0xba: {  	[sflag:s29] =	ssyncadd.s32 $0xFFFFFFFF  }
0xbb: {  	_ =	strace $0x90000048  }
0xbc: {  	_ =	sfence  }
0xbd: {  	s30 =	sld [smem:$0x0];
	_ =	sdelay $0x2  }
0xbe: {  	s31 =	sshll.u32 s1, $0xD;
	s1 =	sshrl.u32 s1, $0x2  }
0xbf: {  	s3 =	sand.u32 $0x4000, s31;
	s1 =	sadd.s32 s1, s30  }
0xc0: {  	s0 =	sor.u32 s3, s0;
	s1 =	sshll.u32 s1, $0x11  }
0xc1: {  	s0 =	sor.u32 s1, s0  }
0xc2: {  	s0 =	sadd.s32 $0x8F2B, s0  }
0xc3: {  	[sflag:s0] =	ssyncadd.remote.s32 $0x1  }
0xc4: {  	_ =	sfence.sel $0xFFFF  }
0xc5: {  	[dreg:$0x0] =	wrdreg $0xFFFFFFFF;
	(pc) =	sbr.abs _section_cstart, $3  }
0xc6: {  	[dreg:$0x1] =	wrdreg $0xFFFFFFFF  }
0xc7: {  	_ =	task.clear_ibuf [dreg:s7], $0x2FFFF;
	_ =	strace $0x9FFFFFFF  }
0xc8: {  	(tm) =	ssettm $0x7FFFFFFF  }
0xc9: {  	_ =	shalt  }
tec
execute0_lowered:
.L_overlay_start_1:
0x0: {  	(tag) =	ssettag $0x1  }
0x1: {  	v0 =	vimm.s32 $0x1380;
	vm14 =	vcmask $0x300;
	vm13 =	vcmask $0x704  }
0x2: {  	vm12 =	vcmask $0xB08;
	vm11 =	vcmask $0xF0C;
	vm10 =	vcmask $0x1310  }
0x3: {  	vm9 =	vcmask $0x1714;
	vm8 =	vcmask $0x1B18;
	vm7 =	vcmask $0x1F1C  }
0x4: {  	vm6 =	vcmask $0x2320;
	vm5 =	vcmask $0x2724;
	vm4 =	vcmask $0x2B28  }
0x5: {  	vm3 =	vcmask $0x2F2C;
	vm2 =	vcmask $0x3330;
	vm1 =	vcmask $0x3734  }
0x6: {  	vm0 =	vcmask $0x3B38;
	v2 =	vimm.f32 $1.000000000e+00;
	v3 =	vimm.s32 $0x3380  }
0x7: {  	v4 =	vimm.s32 $0x5380;
	v5 =	vimm.s32 $0x7380;
	v0 =	vsel vm14, $0x0, v0  }
0x8: {  	v3 =	vsel vm14, $0x2000, v3;
	v4 =	vsel vm14, $0x4000, v4;
	v5 =	vsel vm14, $0x6000, v5  }
0x9: {  	v0 =	vsel vm13, $0x80, v0;
	v3 =	vsel vm13, $0x2080, v3;
	v4 =	vsel vm13, $0x4080, v4  }
0xa: {  	v5 =	vsel vm13, $0x6080, v5;
	v0 =	vsel vm12, $0x100, v0;
	v3 =	vsel vm12, $0x2100, v3  }
0xb: {  	v4 =	vsel vm12, $0x4100, v4;
	v5 =	vsel vm12, $0x6100, v5;
	v0 =	vsel vm11, $0x180, v0  }
0xc: {  	v3 =	vsel vm11, $0x2180, v3;
	v4 =	vsel vm11, $0x4180, v4;
	v5 =	vsel vm11, $0x6180, v5  }
0xd: {  	v0 =	vsel vm10, $0x200, v0;
	v3 =	vsel vm10, $0x2200, v3;
	v4 =	vsel vm10, $0x4200, v4  }
0xe: {  	v5 =	vsel vm10, $0x6200, v5;
	v0 =	vsel vm9, $0x280, v0;
	v3 =	vsel vm9, $0x2280, v3  }
0xf: {  	v4 =	vsel vm9, $0x4280, v4;
	v5 =	vsel vm9, $0x6280, v5;
	v0 =	vsel vm8, $0x300, v0  }
0x10: {  	v3 =	vsel vm8, $0x2300, v3;
	v4 =	vsel vm8, $0x4300, v4;
	v5 =	vsel vm8, $0x6300, v5  }
0x11: {  	v0 =	vsel vm7, $0x380, v0;
	v3 =	vsel vm7, $0x2380, v3;
	v4 =	vsel vm7, $0x4380, v4  }
0x12: {  	s3 =	rddreg [dreg:$0x0];
	v5 =	vsel vm7, $0x6380, v5;
	v0 =	vsel vm6, $0x1000, v0;
	v3 =	vsel vm6, $0x3000, v3  }
0x13: {  	s4 =	rddreg [dreg:$0x1];
	s2 =	srdreg.scid;
	v4 =	vsel vm6, $0x5000, v4;
	v5 =	vsel vm6, $0x7000, v5;
	v0 =	vsel vm5, $0x1080, v0  }
0x14: {  	s0 =	rddreg [dreg:$0x2];
	s1 =	stileid.u32;
	v3 =	vsel vm5, $0x3080, v3;
	v4 =	vsel vm5, $0x5080, v4;
	v5 =	vsel vm5, $0x7080, v5  }
0x15: {  	s5 =	sand.u32 $0x1, s2;
	s2 =	simm.s32 $0x0;
	s6 =	sshll.u32 s1, $0xC;
	v0 =	vsel vm4, $0x1100, v0;
	v3 =	vsel vm4, $0x3100, v3;
	v4 =	vsel vm4, $0x5100, v4  }
0x16: {  	s8 =	sshll.u32 s1, $0x12;
	s7 =	sshll.u32 s5, $0xB;
	[smem:$0x7FF] =	sst s2;
	v5 =	vsel vm4, $0x7100, v5;
	v0 =	vsel vm3, $0x1180, v0;
	v3 =	vsel vm3, $0x3180, v3  }
0x17: {  	s29 =	ssub.s32 $0x2, s5;
	s31 =	sadd.s32 s8, s4;
	s5 =	sshll.u32 s5, $0x11;
	v4 =	vsel vm3, $0x5180, v4;
	v5 =	vsel vm3, $0x7180, v5;
	v0 =	vsel vm2, $0x1200, v0  }
0x18: {  	s8 =	simm.s32 $0x0;
	s6 =	sor.u32 s7, s6;
	_ =	strace $0x80000047;
	v3 =	vsel vm2, $0x3200, v3;
	v4 =	vsel vm2, $0x5200, v4;
	v5 =	vsel vm2, $0x7200, v5  }
0x19: {  	s30 =	sshrl.u32 s29, $0x1;
	s5 =	sadd.s32 s5, s31;
	s6 =	sshrl.u32 s6, $0x3;
	v1 =	vsel vm1, $0x1280, v0;
	v0 =	vimm.f32 $0.0e+00;
	v3 =	vsel vm1, $0x3280, v3  }
0x1a: {  	s7 =	simm.s32 $0x800;
	s3 =	sadd.s32 s6, s3;
	s6 =	ssub.s32 s29, s30;
	v4 =	vsel vm1, $0x5280, v4;
	v5 =	vsel vm1, $0x7280, v5;
	v1 =	vsel vm0, $0x1300, v1  }
0x1b: {  	s3 =	sadd.s32 $0x1000, s3;
	s4 =	smax.u32 s6, $0x1;
	s6 =	simm.s32 $0x1;
	v3 =	vsel vm0, $0x3300, v3;
	v4 =	vsel vm0, $0x5300, v4;
	v5 =	vsel vm0, $0x7300, v5  }
.LBB2_1:
0x1c: {  	[tilespmem:s2], [sflag:$0x1] =	stream.linear.gather [hbm4b:s3+s2], $0x800, $0x38;
	[tilespmem:$0x8800] =	vst v63  }
0x1d: {  	_ =	swait.ge [sflag:s6], $0x800  }
0x1e: {  	[sflag:s6] =	ssyncset.done $0x0  }
0x1f: {  	s9 =	simm.s32 $0x0;
	[sflag:s6] =	ssyncadd.s32 $0xFFFFF800  }
.LBB2_2:
0x20: {  	s10 =	sshll.u32 s9, $0x9;
	s11 =	sshll.u32 s9, $0x7  }
0x21: {  	s10 =	sand.u32 $0x7000, s10;
	s11 =	sand.u32 $0x380, s11  }
0x22: {  	s11 =	sor.u32 s11, s10;
	s10 =	simm.s32 $0x0  }
0x23: {  	s11 =	sor.u32 $0x800, s11;
	s12 =	sand.u32 $0xC00, s10  }
0x24: {  	s13 =	sand.u32 $0x70, s10;
	s14 =	sadd.s32 s12, s11  }
0x25: {  	s12 =	simm.s32 $0x10;
	s13 =	sadd.s32 s13, s14  }
.LBB2_3:
0x26: {  	p0 =	sne.s32 s12, $0x1F0  }
0x27: {  	[tilespmem:s13+$0x0] =	vst v0;
	s10 =	sadd.s32 $0x80, s10;
	s13 =	smov.u32 s12;
	s12 =	sadd.s32 $0x10, s12  }
.Ltmp0:
0x28: {  	(pc) =	sbr.rel @p0 .LBB2_3-.Ltmp0, $4  }
0x29: {  	_ = 	snop  }
0x2a: {  	s14 =	sand.u32 $0xC00, s10  }
0x2b: {  	s13 =	sand.u32 $0x70, s13;
	s14 =	sadd.s32 s14, s11  }
0x2c: {  	s13 =	sadd.s32 s13, s14  }
0x2d: {  	s9 =	sadd.s32 $0x1, s9  }
0x2e: {  	p0 =	sne.s32 s9, $0x40  }
.Ltmp1:
0x2f: {  	_ = 	snop;
	(pc) =	sbr.rel @p0 .LBB2_2-.Ltmp1, $2  }
0x30: {  	_ =	sdelay $0x2  }
0x31: {  	[tilespmem:s13+$0x0] =	vst v0  }
0x32: {  	s9 =	simm.s32 $0x0;
	s10 =	simm.s32 $0x20  }
.LBB2_6:
0x33: {  	v6 =	vld [tilespmem:s10+$0xFFFFFFE0];
	_ =	sdelay $0x4  }
0x34: {  	v7 =	vshll.u32 v6, $0x3  }
0x35: {  	v6 =	vand.u32 $0x7F, v6;
	v7 =	vand.u32 $0xFFFFFC00, v7  }
0x36: {  	v6 =	vor.u32 v6, v7  }
0x37: {  	v6 =	vadd.s32 v1, v6;
	_ =	sdelay $0x4  }
0x38: {  	[tilespmem:v6+s7+$0x0] =	vst.idx.msk $0xffff, v2  }
0x39: {  	v6 =	vld [tilespmem:s10+$0xFFFFFFF0];
	_ =	sdelay $0x4  }
0x3a: {  	v7 =	vshll.u32 v6, $0x3  }
0x3b: {  	v6 =	vand.u32 $0x7F, v6;
	v7 =	vand.u32 $0xFFFFFC00, v7  }
0x3c: {  	v6 =	vor.u32 v6, v7  }
0x3d: {  	v6 =	vadd.s32 v3, v6;
	_ =	sdelay $0x4  }
0x3e: {  	[tilespmem:v6+s7+$0x0] =	vst.idx.msk $0xffff, v2  }
0x3f: {  	v6 =	vld [tilespmem:s10+$0x0];
	_ =	sdelay $0x4  }
0x40: {  	v7 =	vshll.u32 v6, $0x3  }
0x41: {  	v6 =	vand.u32 $0x7F, v6;
	v7 =	vand.u32 $0xFFFFFC00, v7  }
0x42: {  	v6 =	vor.u32 v6, v7  }
0x43: {  	v6 =	vadd.s32 v4, v6;
	_ =	sdelay $0x4  }
0x44: {  	[tilespmem:v6+s7+$0x0] =	vst.idx.msk $0xffff, v2  }
0x45: {  	v6 =	vld [tilespmem:s10+$0x10];
	_ =	sdelay $0x4  }
0x46: {  	v7 =	vshll.u32 v6, $0x3  }
0x47: {  	v6 =	vand.u32 $0x7F, v6;
	v7 =	vand.u32 $0xFFFFFC00, v7  }
0x48: {  	v6 =	vor.u32 v6, v7  }
0x49: {  	v6 =	vadd.s32 v5, v6;
	_ =	sdelay $0x4  }
0x4a: {  	s11 =	sadd.s32 s9, s5;
	[tilespmem:v6+s7+$0x0] =	vst.idx.msk $0xffff, v2  }
0x4b: {  	[hbm4b:s11+s2] =	stream.linear.scatter [tilespmem:s7], [sflag:$0x1], $0x8000, $0x38;
	[tilespmem:$0x8800] =	vst v63  }
0x4c: {  	_ =	swait.ge [sflag:s6], $0x8000  }
0x4d: {  	[sflag:s6] =	ssyncset.done $0x0  }
0x4e: {  	[sflag:s6] =	ssyncadd.s32 $0xFFFF8000  }
0x4f: {  	v6 =	vld [tilespmem:s10+$0xFFFFFFE0];
	_ =	sdelay $0x4  }
0x50: {  	v7 =	vshll.u32 v6, $0x3  }
0x51: {  	v6 =	vand.u32 $0x7F, v6;
	v7 =	vand.u32 $0xFFFFFC00, v7  }
0x52: {  	v6 =	vor.u32 v6, v7  }
0x53: {  	v6 =	vadd.s32 v1, v6;
	_ =	sdelay $0x4  }
0x54: {  	[tilespmem:v6+s7+$0x0] =	vst.idx.msk $0xffff, v0  }
0x55: {  	v6 =	vld [tilespmem:s10+$0xFFFFFFF0];
	_ =	sdelay $0x4  }
0x56: {  	v7 =	vshll.u32 v6, $0x3  }
0x57: {  	v6 =	vand.u32 $0x7F, v6;
	v7 =	vand.u32 $0xFFFFFC00, v7  }
0x58: {  	v6 =	vor.u32 v6, v7  }
0x59: {  	v6 =	vadd.s32 v3, v6;
	_ =	sdelay $0x4  }
0x5a: {  	[tilespmem:v6+s7+$0x0] =	vst.idx.msk $0xffff, v0  }
0x5b: {  	v6 =	vld [tilespmem:s10+$0x0];
	_ =	sdelay $0x4  }
0x5c: {  	v7 =	vshll.u32 v6, $0x3  }
0x5d: {  	v6 =	vand.u32 $0x7F, v6;
	v7 =	vand.u32 $0xFFFFFC00, v7  }
0x5e: {  	v6 =	vor.u32 v6, v7  }
0x5f: {  	v6 =	vadd.s32 v4, v6;
	_ =	sdelay $0x4  }
0x60: {  	[tilespmem:v6+s7+$0x0] =	vst.idx.msk $0xffff, v0  }
0x61: {  	v6 =	vld [tilespmem:s10+$0x10];
	_ =	sdelay $0x4  }
0x62: {  	v7 =	vshll.u32 v6, $0x3  }
0x63: {  	v6 =	vand.u32 $0x7F, v6;
	v7 =	vand.u32 $0xFFFFFC00, v7  }
0x64: {  	v6 =	vor.u32 v6, v7  }
0x65: {  	p0 =	sne.s32 s9, $0x1F000;
	v6 =	vadd.s32 v5, v6  }
.Ltmp2:
0x66: {  	_ = 	snop;
	(pc) =	sbr.rel @p0 .LBB2_6-.Ltmp2, $2  }
0x67: {  	_ =	sdelay $0x2  }
0x68: {  	s9 =	sadd.s32 $0x1000, s9;
	s10 =	sadd.s32 $0x40, s10;
	[tilespmem:v6+s7+$0x0] =	vst.idx.msk $0xffff, v0  }
0x69: {  	s8 =	sadd.s32 $0x1, s8  }
0x6a: {  	p0 =	sne.s32 s8, s4  }
.Ltmp3:
0x6b: {  	_ = 	snop;
	(pc) =	sbr.rel @p0 .LBB2_1-.Ltmp3, $1  }
0x6c: {  	_ =	sdelay $0x3  }
0x6d: {  	_ =	sfence.sel $0x180000  }
0x6e: {  	[bflag:$0x0] =	sbarrier.arrive $0xFFFF  }
0x6f: {  	p0 =	sne.s32 s1, $0x0;
	_ =	strace $0x90000047  }
0x70: {  	s0 =	sadd.s32 @!p0 $0x100000, s0;
	[bflag:$0x2] =	sbarrier.arrive $0xFFFF  }
0x71: {  	[sflag:s0] =	ssyncadd.tile.s32 @!p0 $0x1;
	_ =	shalt  }
.Lfunc_end2:
_tile_overlayer_lowered:
.L_overlay_start_2:
0x72: {  	(tag) =	ssettag $0x2  }
0x73: {  	s0 =	rddreg [dreg:$0x0];
	s2 =	stileid.u32  }
0x74: {  	s1 =	rddreg [dreg:$0x1];
	p0 =	sne.s32 s2, $0x0  }
0x75: {  	s3 =	rddreg [dreg:$0x2];
	[bflag:$0x3] =	sbarrier.arrive $0xFFFF;
	s2 =	simm.s32 @!p0 $0x1C01  }
0x76: {  	[timem:s3], [sflag:s2] =	dma.local @!p0 [hbm:s0], s1  }
0x77: {  	s0 =	simm.s32 @!p0 $0x1  }
0x78: {  	_ =	swait.ge @!p0 [sflag:s0], s1  }
0x79: {  	s1 =	ssub.s32 @!p0 $0x0, s1;
	[sflag:s0] =	ssyncset.done @!p0 $0x0  }
0x7a: {  	[sflag:s0] =	ssyncadd.s32 @!p0 s1  }
0x7b: {  	[bflag:$0x3] =	sbarrier.arrive $0xFFFF  }
0x7c: {  	_ =	shalt  }

</sc_bundles>
